<compile_context>
chip_gen: v7x
topology: tpu7x:2x2x1
jax: 0.10.2.dev20260603
libtpu: 0.0.44.dev20260713+nightly
codegen_flags: <defaults>
</compile_context>

<pallas_src>
import functools

import jax
import jax.numpy as jnp
from jax import lax
from jax.experimental import pallas as pl
from jax.experimental.pallas import tpu as pltpu
from jax.experimental.pallas import tpu_sc as plsc

D = 1024
NC = 2
NS = 16
NW = NC * NS
B_TOT = 1024 * 200
B_PER_W = B_TOT // NW
C = 40
NCHUNK = B_PER_W // C


def _sc_gather(ids_flat, table):
    mesh = plsc.VectorSubcoreMesh(core_axis_name="c", subcore_axis_name="s")

    @functools.partial(
        pl.kernel,
        mesh=mesh,
        out_type=jax.ShapeDtypeStruct((B_TOT, D), jnp.float32),
        scratch_types=[
            pltpu.VMEM((B_PER_W,), jnp.int32),
            pltpu.VMEM((C, D), jnp.float32),
            pltpu.VMEM((C, D), jnp.float32),
            pltpu.SemaphoreType.DMA,
            pltpu.SemaphoreType.DMA,
            pltpu.SemaphoreType.DMA,
            pltpu.SemaphoreType.DMA,
        ],
    )
    def k(ids_hbm, table_hbm, out_hbm, idx_v, buf0, buf1, g0, g1, s0, s1):
        wid = lax.axis_index("s") * NC + lax.axis_index("c")
        base = pl.multiple_of(wid * B_PER_W, 8)
        pltpu.sync_copy(ids_hbm.at[pl.ds(base, B_PER_W)], idx_v)

        bufs = (buf0, buf1)
        gsems = (g0, g1)
        ssems = (s0, s1)

        def g_start(chunk, buf, sem):
            off = pl.multiple_of(chunk * C, 8)
            pltpu.async_copy(table_hbm.at[idx_v.at[pl.ds(off, C)]], buf, sem)

        def g_wait(buf, sem):
            pltpu.make_async_copy(table_hbm.at[pl.ds(0, C)], buf, sem).wait()

        def s_start(chunk, buf, sem):
            row = pl.multiple_of(base + chunk * C, 8)
            return pltpu.async_copy(buf, out_hbm.at[pl.ds(row, C)], sem)

        g_start(0, buf0, g0)
        g_start(1, buf1, g1)

        def pair(p, carry):
            for b in range(2):
                chunk = p * 2 + b
                g_wait(bufs[b], gsems[b])
                cp = s_start(chunk, bufs[b], ssems[b])
                cp.wait()

                @pl.when(chunk + 2 < NCHUNK)
                def _():
                    g_start(chunk + 2, bufs[b], gsems[b])

            return carry

        lax.fori_loop(0, NCHUNK // 2, pair, 0)

    return k(ids_flat, table)


def kernel(phoneme_ids, table):
    ids_flat = phoneme_ids.reshape(-1)
    out = _sc_gather(ids_flat, table)
    return out.reshape(phoneme_ids.shape[0], phoneme_ids.shape[1], D)

# --- scband reference (transcript-rebuilt; emitter-appended) ---
"""Pipeline reference for scband-espeak-phoneme-conditioner-7026566496527 (READ-ONLY COPY).

The authoritative reference and input builder live on the scoring server;
editing this copy changes nothing except your own understanding.
"""

import jax, jax.numpy as jnp
import numpy as np

VOCAB = 194  # len(ZonosUtils.SPECIAL_TOKEN_IDS) + len(ZonosUtils.symbols)
OUTPUT_DIM = 1024
BATCH = 1024
SEQ = 200


def setup_inputs(seed: int = 0) -> dict:
    key = jax.random.key(seed)
    k1, k2 = jax.random.split(key)
    phoneme_ids = jax.random.randint(k1, (BATCH, SEQ), 0, VOCAB, dtype=jnp.int64 if jax.config.jax_enable_x64 else jnp.int32).astype(jnp.int32)
    table = jax.random.normal(k2, (VOCAB, OUTPUT_DIM), dtype=jnp.float32)
    return {"phoneme_ids": phoneme_ids, "table": table}


def reference(phoneme_ids, table):
    # EspeakPhonemeConditioner.apply_cond core compute:
    #   phoneme_embeds = self.phoneme_embedder(phoneme_ids)  -> nn.Embedding gather
    # projection == 'none' -> nn.Identity, so the embedding lookup IS the forward output.
    phoneme_embeds = jnp.take(table, phoneme_ids, axis=0)
    return phoneme_embeds

if __name__ == "__main__":
    import jax
    _d = setup_inputs()
    print(jax.jit(kernel)(*tuple(_d.values())))

</pallas_src>

<mosaic_0001>
#map = affine_map<(d0, d1) -> (0)>
#map1 = affine_map<(d0, d1) -> (0, 0)>
module attributes {stable_mosaic.version = 14 : i64} {
  func.func @k(%arg0: i32, %arg1: i32, %arg2: memref<204800xi32, #tpu.memory_space<hbm>>, %arg3: memref<194x1024xf32, #tpu.memory_space<hbm>>, %arg4: memref<204800x1024xf32, #tpu.memory_space<hbm>>, %arg5: memref<6400xi32, #tpu.memory_space<vmem>>, %arg6: memref<40x1024xf32, #tpu.memory_space<vmem>>, %arg7: memref<40x1024xf32, #tpu.memory_space<vmem>>, %arg8: memref<!tpu.dma_semaphore, #tpu.memory_space<semaphore_mem>>, %arg9: memref<!tpu.dma_semaphore, #tpu.memory_space<semaphore_mem>>, %arg10: memref<!tpu.dma_semaphore, #tpu.memory_space<semaphore_mem>>, %arg11: memref<!tpu.dma_semaphore, #tpu.memory_space<semaphore_mem>>) attributes {dimension_semantics = [#tpu.dimension_semantics<core_parallel>, #tpu.dimension_semantics<subcore_parallel>], iteration_bounds = array<i64: 2, 16>, scalar_prefetch = 0 : i64, scratch_operands = 7 : i64, tpu.core_type = #tpu.core_type<sc_vector_subcore>, window_params = [{transform_indices = #map}, {transform_indices = #map1}, {transform_indices = #map1}]} {
    %mul3A = arith.constant 2 : i32
    %mul3A_0 = arith.muli %arg1, %mul3A : i32
    %add3A = arith.addi %mul3A_0, %arg0 : i32
    %mul3A_1 = arith.constant 6400 : i32
    %mul3A_2 = arith.muli %add3A, %mul3A_1 : i32
    %multiple_of3A = tpu.assume_multiple %mul3A_2, 8 : i32
    "tpu.region"() ({
      %run_scoped3A = tpu.sem_alloc : memref<!tpu.dma_semaphore, #tpu.memory_space<semaphore_mem>>
      %dma_start3A_19 = tpu.memref_slice %arg2[%multiple_of3A] : memref<204800xi32, #tpu.memory_space<hbm>> -> memref<6400xi32, #tpu.memory_space<hbm>>
      %dma_start3A_20 = tpu.memref_slice %arg2[%multiple_of3A] : memref<204800xi32, #tpu.memory_space<hbm>> -> memref<6400xi32, #tpu.memory_space<hbm>>
      tpu.enqueue_dma source(%dma_start3A_20 : memref<6400xi32, #tpu.memory_space<hbm>>) target(%arg5 : memref<6400xi32, #tpu.memory_space<vmem>>) target_semaphore(%run_scoped3A : memref<!tpu.dma_semaphore, #tpu.memory_space<semaphore_mem>>)
      %dma_wait3A = tpu.memref_slice %arg2[%multiple_of3A] : memref<204800xi32, #tpu.memory_space<hbm>> -> memref<6400xi32, #tpu.memory_space<hbm>>
      %dma_wait3A_21 = tpu.memref_slice %arg2[%multiple_of3A] : memref<204800xi32, #tpu.memory_space<hbm>> -> memref<6400xi32, #tpu.memory_space<hbm>>
      tpu.wait_dma2 semaphore(%run_scoped3A : memref<!tpu.dma_semaphore, #tpu.memory_space<semaphore_mem>>) src(%dma_wait3A_21 : memref<6400xi32, #tpu.memory_space<hbm>>) dst(%arg5 : memref<6400xi32, #tpu.memory_space<vmem>>)
      tpu.yield
    }) : () -> ()
    %multiple_of3A_3 = arith.constant 0 : i32
    %multiple_of3A_4 = tpu.assume_multiple %multiple_of3A_3, 8 : i32
    %dma_start3A = tpu.memref_slice %arg5[%multiple_of3A_4] : memref<6400xi32, #tpu.memory_space<vmem>> -> memref<40xi32, #tpu.memory_space<vmem>>
    %dma_start3A_5 = arith.constant 0 : i32
    %dma_start3A_6 = arith.constant 0 : i32
    %dma_start3A_7 = tpu.memref_slice %arg3[%dma_start3A_5, %dma_start3A_6] : memref<194x1024xf32, #tpu.memory_space<hbm>> -> memref<194x1024xf32, #tpu.memory_space<hbm>>
    tpu.enqueue_indirect_dma source(%dma_start3A_7 : memref<194x1024xf32, #tpu.memory_space<hbm>>) target(%arg6 : memref<40x1024xf32, #tpu.memory_space<vmem>>) offsets(%dma_start3A : memref<40xi32, #tpu.memory_space<vmem>>) semaphore(%arg8 : memref<!tpu.dma_semaphore, #tpu.memory_space<semaphore_mem>>)
    %multiple_of3A_8 = arith.constant 40 : i32
    %multiple_of3A_9 = tpu.assume_multiple %multiple_of3A_8, 8 : i32
    %dma_start3A_10 = tpu.memref_slice %arg5[%multiple_of3A_9] : memref<6400xi32, #tpu.memory_space<vmem>> -> memref<40xi32, #tpu.memory_space<vmem>>
    %dma_start3A_11 = arith.constant 0 : i32
    %dma_start3A_12 = arith.constant 0 : i32
    %dma_start3A_13 = tpu.memref_slice %arg3[%dma_start3A_11, %dma_start3A_12] : memref<194x1024xf32, #tpu.memory_space<hbm>> -> memref<194x1024xf32, #tpu.memory_space<hbm>>
    tpu.enqueue_indirect_dma source(%dma_start3A_13 : memref<194x1024xf32, #tpu.memory_space<hbm>>) target(%arg7 : memref<40x1024xf32, #tpu.memory_space<vmem>>) offsets(%dma_start3A_10 : memref<40xi32, #tpu.memory_space<vmem>>) semaphore(%arg9 : memref<!tpu.dma_semaphore, #tpu.memory_space<semaphore_mem>>)
    %scan3A = arith.constant 0 : i32
    %scan3A_14 = arith.constant 0 : i32
    %scan3A_15 = arith.constant 80 : i32
    %scan3A_16 = arith.addi %scan3A_14, %scan3A_15 : i32
    %scan3A_17 = arith.constant 1 : i32
    scf.for %scan3A_19 = %scan3A_14 to %scan3A_16 step %scan3A_17  : i32 {
      %mul3A_20 = arith.constant 2 : i32
      %mul3A_21 = arith.muli %scan3A_19, %mul3A_20 : i32
      %add3A_22 = arith.constant 0 : i32
      %add3A_23 = arith.addi %mul3A_21, %add3A_22 : i32
      %dma_wait3A = arith.constant 0 : i32
      %dma_wait3A_24 = arith.constant 0 : i32
      %dma_wait3A_25 = tpu.memref_slice %arg3[%dma_wait3A, %dma_wait3A_24] : memref<194x1024xf32, #tpu.memory_space<hbm>> -> memref<40x1024xf32, #tpu.memory_space<hbm>>
      %dma_wait3A_26 = arith.constant 0 : i32
      %dma_wait3A_27 = arith.constant 0 : i32
      %dma_wait3A_28 = tpu.memref_slice %arg3[%dma_wait3A_26, %dma_wait3A_27] : memref<194x1024xf32, #tpu.memory_space<hbm>> -> memref<40x1024xf32, #tpu.memory_space<hbm>>
      tpu.wait_dma2 semaphore(%arg8 : memref<!tpu.dma_semaphore, #tpu.memory_space<semaphore_mem>>) src(%dma_wait3A_28 : memref<40x1024xf32, #tpu.memory_space<hbm>>) dst(%arg6 : memref<40x1024xf32, #tpu.memory_space<vmem>>)
      %mul3A_29 = arith.constant 40 : i32
      %mul3A_30 = arith.muli %add3A_23, %mul3A_29 : i32
      %add3A_31 = arith.addi %multiple_of3A, %mul3A_30 : i32
      %multiple_of3A_32 = tpu.assume_multiple %add3A_31, 8 : i32
      %dma_start3A_33 = arith.constant 0 : i32
      %dma_start3A_34 = tpu.memref_slice %arg4[%multiple_of3A_32, %dma_start3A_33] : memref<204800x1024xf32, #tpu.memory_space<hbm>> -> memref<40x1024xf32, #tpu.memory_space<hbm>>
      %dma_start3A_35 = arith.constant 0 : i32
      %dma_start3A_36 = tpu.memref_slice %arg4[%multiple_of3A_32, %dma_start3A_35] : memref<204800x1024xf32, #tpu.memory_space<hbm>> -> memref<40x1024xf32, #tpu.memory_space<hbm>>
      tpu.enqueue_dma source(%arg6 : memref<40x1024xf32, #tpu.memory_space<vmem>>) target(%dma_start3A_36 : memref<40x1024xf32, #tpu.memory_space<hbm>>) target_semaphore(%arg10 : memref<!tpu.dma_semaphore, #tpu.memory_space<semaphore_mem>>)
      %dma_wait3A_37 = arith.constant 0 : i32
      %dma_wait3A_38 = tpu.memref_slice %arg4[%multiple_of3A_32, %dma_wait3A_37] : memref<204800x1024xf32, #tpu.memory_space<hbm>> -> memref<40x1024xf32, #tpu.memory_space<hbm>>
      %dma_wait3A_39 = arith.constant 0 : i32
      %dma_wait3A_40 = tpu.memref_slice %arg4[%multiple_of3A_32, %dma_wait3A_39] : memref<204800x1024xf32, #tpu.memory_space<hbm>> -> memref<40x1024xf32, #tpu.memory_space<hbm>>
      tpu.wait_dma2 semaphore(%arg10 : memref<!tpu.dma_semaphore, #tpu.memory_space<semaphore_mem>>) src(%arg6 : memref<40x1024xf32, #tpu.memory_space<vmem>>) dst(%dma_wait3A_40 : memref<40x1024xf32, #tpu.memory_space<hbm>>)
      %add3A_41 = arith.constant 2 : i32
      %add3A_42 = arith.addi %add3A_23, %add3A_41 : i32
      %lt3A = arith.constant 160 : i32
      %lt3A_43 = arith.cmpi slt, %add3A_42, %lt3A : i32
      %convert_element_type3A = arith.extui %lt3A_43 : i1 to i32
      %cond3A = arith.constant 0 : i32
      %cond3A_44 = arith.cmpi ne, %convert_element_type3A, %cond3A : i32
      scf.if %cond3A_44 {
        %add3A_74 = arith.constant 2 : i32
        %add3A_75 = arith.addi %add3A_23, %add3A_74 : i32
        %mul3A_76 = arith.constant 40 : i32
        %mul3A_77 = arith.muli %add3A_75, %mul3A_76 : i32
        %multiple_of3A_78 = tpu.assume_multiple %mul3A_77, 8 : i32
        %dma_start3A_79 = tpu.memref_slice %arg5[%multiple_of3A_78] : memref<6400xi32, #tpu.memory_space<vmem>> -> memref<40xi32, #tpu.memory_space<vmem>>
        %dma_start3A_80 = arith.constant 0 : i32
        %dma_start3A_81 = arith.constant 0 : i32
        %dma_start3A_82 = tpu.memref_slice %arg3[%dma_start3A_80, %dma_start3A_81] : memref<194x1024xf32, #tpu.memory_space<hbm>> -> memref<194x1024xf32, #tpu.memory_space<hbm>>
        tpu.enqueue_indirect_dma source(%dma_start3A_82 : memref<194x1024xf32, #tpu.memory_space<hbm>>) target(%arg6 : memref<40x1024xf32, #tpu.memory_space<vmem>>) offsets(%dma_start3A_79 : memref<40xi32, #tpu.memory_space<vmem>>) semaphore(%arg8 : memref<!tpu.dma_semaphore, #tpu.memory_space<semaphore_mem>>)
      } else {
      }
      %mul3A_45 = arith.constant 2 : i32
      %mul3A_46 = arith.muli %scan3A_19, %mul3A_45 : i32
      %add3A_47 = arith.constant 1 : i32
      %add3A_48 = arith.addi %mul3A_46, %add3A_47 : i32
      %dma_wait3A_49 = arith.constant 0 : i32
      %dma_wait3A_50 = arith.constant 0 : i32
      %dma_wait3A_51 = tpu.memref_slice %arg3[%dma_wait3A_49, %dma_wait3A_50] : memref<194x1024xf32, #tpu.memory_space<hbm>> -> memref<40x1024xf32, #tpu.memory_space<hbm>>
      %dma_wait3A_52 = arith.constant 0 : i32
      %dma_wait3A_53 = arith.constant 0 : i32
      %dma_wait3A_54 = tpu.memref_slice %arg3[%dma_wait3A_52, %dma_wait3A_53] : memref<194x1024xf32, #tpu.memory_space<hbm>> -> memref<40x1024xf32, #tpu.memory_space<hbm>>
      tpu.wait_dma2 semaphore(%arg9 : memref<!tpu.dma_semaphore, #tpu.memory_space<semaphore_mem>>) src(%dma_wait3A_54 : memref<40x1024xf32, #tpu.memory_space<hbm>>) dst(%arg7 : memref<40x1024xf32, #tpu.memory_space<vmem>>)
      %mul3A_55 = arith.constant 40 : i32
      %mul3A_56 = arith.muli %add3A_48, %mul3A_55 : i32
      %add3A_57 = arith.addi %multiple_of3A, %mul3A_56 : i32
      %multiple_of3A_58 = tpu.assume_multiple %add3A_57, 8 : i32
      %dma_start3A_59 = arith.constant 0 : i32
      %dma_start3A_60 = tpu.memref_slice %arg4[%multiple_of3A_58, %dma_start3A_59] : memref<204800x1024xf32, #tpu.memory_space<hbm>> -> memref<40x1024xf32, #tpu.memory_space<hbm>>
      %dma_start3A_61 = arith.constant 0 : i32
      %dma_start3A_62 = tpu.memref_slice %arg4[%multiple_of3A_58, %dma_start3A_61] : memref<204800x1024xf32, #tpu.memory_space<hbm>> -> memref<40x1024xf32, #tpu.memory_space<hbm>>
      tpu.enqueue_dma source(%arg7 : memref<40x1024xf32, #tpu.memory_space<vmem>>) target(%dma_start3A_62 : memref<40x1024xf32, #tpu.memory_space<hbm>>) target_semaphore(%arg11 : memref<!tpu.dma_semaphore, #tpu.memory_space<semaphore_mem>>)
      %dma_wait3A_63 = arith.constant 0 : i32
      %dma_wait3A_64 = tpu.memref_slice %arg4[%multiple_of3A_58, %dma_wait3A_63] : memref<204800x1024xf32, #tpu.memory_space<hbm>> -> memref<40x1024xf32, #tpu.memory_space<hbm>>
      %dma_wait3A_65 = arith.constant 0 : i32
      %dma_wait3A_66 = tpu.memref_slice %arg4[%multiple_of3A_58, %dma_wait3A_65] : memref<204800x1024xf32, #tpu.memory_space<hbm>> -> memref<40x1024xf32, #tpu.memory_space<hbm>>
      tpu.wait_dma2 semaphore(%arg11 : memref<!tpu.dma_semaphore, #tpu.memory_space<semaphore_mem>>) src(%arg7 : memref<40x1024xf32, #tpu.memory_space<vmem>>) dst(%dma_wait3A_66 : memref<40x1024xf32, #tpu.memory_space<hbm>>)
      %add3A_67 = arith.constant 2 : i32
      %add3A_68 = arith.addi %add3A_48, %add3A_67 : i32
      %lt3A_69 = arith.constant 160 : i32
      %lt3A_70 = arith.cmpi slt, %add3A_68, %lt3A_69 : i32
      %convert_element_type3A_71 = arith.extui %lt3A_70 : i1 to i32
      %cond3A_72 = arith.constant 0 : i32
      %cond3A_73 = arith.cmpi ne, %convert_element_type3A_71, %cond3A_72 : i32
      scf.if %cond3A_73 {
        %add3A_74 = arith.constant 2 : i32
        %add3A_75 = arith.addi %add3A_48, %add3A_74 : i32
        %mul3A_76 = arith.constant 40 : i32
        %mul3A_77 = arith.muli %add3A_75, %mul3A_76 : i32
        %multiple_of3A_78 = tpu.assume_multiple %mul3A_77, 8 : i32
        %dma_start3A_79 = tpu.memref_slice %arg5[%multiple_of3A_78] : memref<6400xi32, #tpu.memory_space<vmem>> -> memref<40xi32, #tpu.memory_space<vmem>>
        %dma_start3A_80 = arith.constant 0 : i32
        %dma_start3A_81 = arith.constant 0 : i32
        %dma_start3A_82 = tpu.memref_slice %arg3[%dma_start3A_80, %dma_start3A_81] : memref<194x1024xf32, #tpu.memory_space<hbm>> -> memref<194x1024xf32, #tpu.memory_space<hbm>>
        tpu.enqueue_indirect_dma source(%dma_start3A_82 : memref<194x1024xf32, #tpu.memory_space<hbm>>) target(%arg7 : memref<40x1024xf32, #tpu.memory_space<vmem>>) offsets(%dma_start3A_79 : memref<40xi32, #tpu.memory_space<vmem>>) semaphore(%arg9 : memref<!tpu.dma_semaphore, #tpu.memory_space<semaphore_mem>>)
      } else {
      }
    }
    %scan3A_18 = arith.constant 80 : i32
    return
  }
}

</mosaic_0001>

<sc_bundles>
// kernel: kernel.3.cloned.1.call-start
scs
__scs_entry_jumppad:
0x0: {  	(pc) =	sbr.rel $0x88, $3  }
0x1: {  	(tag) =	ssettag $0x0;
	lr =	simm.s32 $0x1  }
0x2: {  	[smem:$0x3F9F] =	sst lr;
	_ =	strace $0xD0000000  }
0x3: {  	_ = 	snop  }
0x4: {  	_ = 	snop  }
0x5: {  	_ = 	snop  }
0x6: {  	_ = 	snop  }
0x7: {  	_ = 	snop  }
__scs_overlays_trampoline_lowered:
0x8: {  	[smem:$0x3FAE] =	sst s0  }
0x9: {  	[smem:$0x3FAF] =	sst s1  }
0xa: {  	[smem:$0x3FB0] =	sst s2  }
0xb: {  	[smem:$0x3FB1] =	sst s3  }
0xc: {  	[smem:$0x3FB2] =	sst s4  }
0xd: {  	[smem:$0x3FB3] =	sst s5  }
0xe: {  	[smem:$0x3FB4] =	sst s6  }
0xf: {  	[smem:$0x3FB5] =	sst s7  }
0x10: {  	[smem:$0x3FB6] =	sst s8  }
0x11: {  	[smem:$0x3FB7] =	sst s9;
	s0 =	simm.s32 @!p0 $0x0  }
0x12: {  	s1 =	sld [smem:$0x3F9D];
	s0 =	simm.s32 @p0 $0x1  }
0x13: {  	[smem:$0x3FB8] =	sst s0;
	s0 =	simm.s32 @!p1 $0x0  }
0x14: {  	s2 =	sld [smem:$0x3F9C];
	s0 =	simm.s32 @p1 $0x1  }
0x15: {  	[smem:$0x3FB9] =	sst s0;
	s0 =	simm.s32 @!p2 $0x0  }
0x16: {  	s3 =	sld [smem:$0x3FDB];
	s0 =	simm.s32 @p2 $0x1  }
0x17: {  	s4 =	simm.s32 $0x1BF5;
	[smem:$0x3FBB] =	sst s0  }
0x18: {  	s0 =	sld [smem:$0x3F9E];
	_ =	swait.ge [sflag:s4], $0x0  }
0x19: {  	s7 =	sld [smem:$0x3F9F]  }
0x1a: {  	s8 =	sadd.s32 $0xFFFFE003, lr  }
0x1b: {  	s9 =	sadd.s32 $0xFFFFFEF7, lr;
	s5 =	simm.s32 $0xFFFFFFFF;
	p2 =	slt.u32 s8, $0xFFFFF086  }
0x1c: {  	p1 =	slt.u32 s9, $0xF7A;
	s5 =	simm.s32 @!p2 $0x0  }
0x1d: {  	s5 =	simm.s32 @p1 $0x1;
	p0 =	seq.s32 s7, s2  }
0x1e: {  	s7 =	smul.u32 @!p0 $0xF7A, s2;
	p2 =	seq.s32 @!p0 s5, $0x0  }
0x1f: {  	s9 =	smul.u32 $0xF7A, s1;
	s8 =	simm.s32 @!p0 $0x1BF5;
	p2 =	por !p2, p0  }
0x20: {  	[sflag:s8] =	ssyncset.s32 @!p0 $0xFFFFF086;
	s6 =	sadd.s32 @!p0 s3, s7;
	s7 =	simm.s32 @!p0 $0x108  }
0x21: {  	s3 =	sadd.s32 s3, s9;
	s6 =	sadd.s32 @!p0 $0x88, s6;
	s7 =	simm.s32 @p2 $0x1082  }
0x22: {  	[simem:s7], [sflag:s8] =	dma.local @!p0 [hbm:s6], $0xF7A  }
0x23: {  	s9 =	sor.u32 $0xD0000000, s2;
	s6 =	simm.s32 $0x108;
	_ =	swait.ge @!p0 [sflag:s8], $0x0  }
0x24: {  	s3 =	sadd.s32 $0x88, s3;
	s6 =	simm.s32 @!p1 $0x1082;
	[sflag:s4] =	ssyncset.s32 $0xFFFFF086  }
0x25: {  	[simem:s6], [sflag:s4] =	dma.local [hbm:s3], $0xF7A  }
0x26: {  	[smem:$0x3F9F] =	sst s1;
	(tag) =	ssettag s2;
	_ =	strace s9  }
0x27: {  	s1 =	sld [smem:$0x3FAF]  }
0x28: {  	s2 =	sld [smem:$0x3FB0]  }
0x29: {  	s4 =	sld [smem:$0x3FB2]  }
0x2a: {  	p0 =	seq.s32 s5, $0x0;
	s5 =	sld [smem:$0x3FB3]  }
0x2b: {  	s6 =	sld [smem:$0x3FB4]  }
0x2c: {  	s7 =	sld [smem:$0x3FB5]  }
0x2d: {  	s3 =	simm.s32 $0x108;
	s8 =	sld [smem:$0x3FB6]  }
0x2e: {  	s3 =	simm.s32 @!p0 $0x1082;
	s9 =	sld [smem:$0x3FB7]  }
0x2f: {  	lr =	sadd.s32 s0, s3;
	s0 =	sld [smem:$0x3FAE]  }
0x30: {  	s3 =	sld [smem:$0x3FB1]  }
0x31: {  	[smem:$0x3FBA] =	sst s10  }
0x32: {  	s10 =	sld [smem:$0x3FB8];
	_ =	sdelay $0x3  }
0x33: {  	p0 =	seq.s32 s10, $0x1;
	s10 =	sld [smem:$0x3FBA];
	_ =	sdelay $0x3  }
0x34: {  	[smem:$0x3FBA] =	sst s10  }
0x35: {  	s10 =	sld [smem:$0x3FB9];
	_ =	sdelay $0x3  }
0x36: {  	p1 =	seq.s32 s10, $0x1;
	s10 =	sld [smem:$0x3FBA];
	_ =	sdelay $0x3  }
0x37: {  	[smem:$0x3FBA] =	sst s10  }
0x38: {  	s10 =	sld [smem:$0x3FBB]  }
0x39: {  	_ = 	snop;
	(pc) =	sbr.ind lr, $3  }
0x3a: {  	_ = 	snop  }
0x3b: {  	_ = 	snop  }
0x3c: {  	p2 =	seq.s32 s10, $0x1;
	s10 =	sld [smem:$0x3FBA]  }
0x3d: {  	_ =	shalt  }
0x3e: {  	_ =	shalt  }
0x3f: {  	_ =	shalt  }
0x40: {  	_ =	shalt  }
0x41: {  	_ =	shalt  }
0x42: {  	_ =	shalt  }
0x43: {  	_ =	shalt  }
0x44: {  	_ =	shalt  }
0x45: {  	_ =	shalt  }
0x46: {  	_ =	shalt  }
0x47: {  	_ =	shalt  }
0x48: {  	_ =	shalt  }
0x49: {  	_ =	shalt  }
0x4a: {  	_ =	shalt  }
0x4b: {  	_ =	shalt  }
0x4c: {  	_ =	shalt  }
0x4d: {  	_ =	shalt  }
0x4e: {  	_ =	shalt  }
0x4f: {  	_ =	shalt  }
0x50: {  	_ =	shalt  }
0x51: {  	_ =	shalt  }
0x52: {  	_ =	shalt  }
0x53: {  	_ =	shalt  }
0x54: {  	_ =	shalt  }
0x55: {  	_ =	shalt  }
0x56: {  	_ =	shalt  }
0x57: {  	_ =	shalt  }
0x58: {  	_ =	shalt  }
0x59: {  	_ =	shalt  }
0x5a: {  	_ =	shalt  }
0x5b: {  	_ =	shalt  }
0x5c: {  	_ =	shalt  }
0x5d: {  	_ =	shalt  }
0x5e: {  	_ =	shalt  }
0x5f: {  	_ =	shalt  }
0x60: {  	_ =	shalt  }
0x61: {  	_ =	shalt  }
0x62: {  	_ =	shalt  }
0x63: {  	_ =	shalt  }
0x64: {  	_ =	shalt  }
0x65: {  	_ =	shalt  }
0x66: {  	_ =	shalt  }
0x67: {  	_ =	shalt  }
0x68: {  	_ =	shalt  }
0x69: {  	_ =	shalt  }
0x6a: {  	_ =	shalt  }
0x6b: {  	_ =	shalt  }
0x6c: {  	_ =	shalt  }
0x6d: {  	_ =	shalt  }
0x6e: {  	_ =	shalt  }
0x6f: {  	_ =	shalt  }
0x70: {  	_ =	shalt  }
0x71: {  	_ =	shalt  }
0x72: {  	_ =	shalt  }
0x73: {  	_ =	shalt  }
0x74: {  	_ =	shalt  }
0x75: {  	_ =	shalt  }
0x76: {  	_ =	shalt  }
0x77: {  	_ =	shalt  }
0x78: {  	_ =	shalt  }
0x79: {  	_ =	shalt  }
0x7a: {  	_ =	shalt  }
0x7b: {  	_ =	shalt  }
0x7c: {  	_ =	shalt  }
0x7d: {  	_ =	shalt  }
0x7e: {  	_ =	shalt  }
0x7f: {  	_ =	shalt  }
0x80: {  	_ =	shalt  }
0x81: {  	_ =	shalt  }
0x82: {  	_ =	shalt  }
0x83: {  	_ =	shalt  }
0x84: {  	_ =	shalt  }
0x85: {  	_ =	shalt  }
0x86: {  	_ =	shalt  }
0x87: {  	_ =	shalt  }
.Lfunc_end0:
.L_simem_size_0:
called_computation_lowered:
.L_overlay_start_0:
0x88: {  	s2 =	sld [smem:$0x3FD9]  }
0x89: {  	s3 =	sld [smem:$0x3FFE];
	_ =	sdelay $0x1  }
0x8a: {  	s1 =	srdreg.scid  }
0x8b: {  	s0 =	sand.u32 $0x1, s1  }
0x8c: {  	s17 =	sshll.u32 s0, $0xA;
	s2 =	sadd.s32 s3, s2  }
0x8d: {  	s2 =	sadd.s32 s2, s17  }
0x8e: {  	[smem:$0x3FC6] =	sst s2  }
0x8f: {  	_ = 	snop  }
0x90: {  	s2 =	sld [smem:$0x3FC8]  }
0x91: {  	s18 =	sld [smem:$0x3FD0];
	(tm) =	ssettm $0x1  }
0x92: {  	s4 =	sld [smem:$0x3FFB];
	_ =	sdelay $0x3  }
0x93: {  	_ =	strace s4  }
0x94: {  	s4 =	sld [smem:$0x3FFC];
	_ =	sdelay $0x3  }
0x95: {  	_ =	strace s4  }
0x96: {  	s4 =	sld [smem:$0x3FFD];
	_ =	sdelay $0x3  }
0x97: {  	_ =	strace s4  }
0x98: {  	_ =	strace $0x8FFFFFFF  }
0x99: {  	s19 =	sld [smem:$0x3FDB];
	_ =	sdelay $0x1  }
0x9a: {  	s5 =	simm.s32 $_scs_section_size  }
0x9b: {  	s6 =	simm.s32 $_size__tile_overlayer_lowered;
	s7 =	simm.s32 $_tile_overlayer_lowered  }
0x9c: {  	s22 =	simm.s32 $0x1BFF;
	s21 =	sshll.u32 s7, $0x1;
	s4 =	sadd.s32 s5, s19  }
0x9d: {  	s8 =	simm.s32 $0x0;
	s20 =	sshll.u32 s6, $0x1;
	s6 =	sadd.s32 s21, s4  }
0x9e: {  	[timem:s8], [sflag:s22] =	dma.local [hbm:s6], s20  }
0x9f: {  	_ =	swait.ge [sflag:s22], s20  }
0xa0: {  	s5 =	ssub.s32 $0x0, s20;
	[sflag:s22] =	ssyncset.done $0x0  }
0xa1: {  	[sflag:s22] =	ssyncadd.s32 s5;
	_ =	sdelay $0x1  }
0xa2: {  	s23 =	simm.s32 $0x1B8B  }
0xa3: {  	_ =	swait.ge [sflag:s23], $0x1  }
0xa4: {  	[sflag:s23] =	ssyncset.done $0x0  }
0xa5: {  	s25 =	simm.s32 $0x1B8E;
	s24 =	sld [smem:$0x3FFE];
	[sflag:s23] =	ssyncadd.s32 $0xFFFFFFFF  }
0xa6: {  	s26 =	simm.s32 $execute0_lowered;
	[smem:$0x3FD2] =	sst s25  }
0xa7: {  	s6 =	sshll.u32 s26, $0x1;
	_ =	strace $0x80000046;
	[dreg:$0x1] =	wrdreg $0xFFFFFFFF  }
0xa8: {  	s28 =	simm.s32 $_size_execute0_lowered;
	s4 =	sadd.s32 s4, s6;
	[dreg:$0x0] =	wrdreg $0x0  }
0xa9: {  	s6 =	sshll.u32 s28, $0x1;
	[dreg:$0x2] =	wrdreg s4  }
0xaa: {  	[dreg:$0x3] =	wrdreg s6  }
0xab: {  	[dreg:$0x4] =	wrdreg $0xC0  }
0xac: {  	_ =	task [dreg:s8], $0x5FFFF  }
0xad: {  	[dreg:$0x1] =	wrdreg $0xFFFFFFFF  }
0xae: {  	[dreg:$0x0] =	wrdreg $0x60  }
0xaf: {  	[dreg:$0x2] =	wrdreg s24  }
0xb0: {  	[dreg:$0x3] =	wrdreg s2  }
0xb1: {  	[dreg:$0x4] =	wrdreg s18  }
0xb2: {  	[dreg:$0x5] =	wrdreg $0x9  }
0xb3: {  	_ =	task.clear_ibuf [dreg:s8], $0x6FFFF;
	_ =	strace $0x90000046  }
0xb4: {  	s29 =	simm.s32 $0x9;
	_ =	strace $0x80000048  }
0xb5: {  	_ =	swait.ge [sflag:s29], $0x1  }
0xb6: {  	[sflag:s29] =	ssyncadd.s32 $0xFFFFFFFF  }
0xb7: {  	_ =	strace $0x90000048  }
0xb8: {  	_ =	sfence  }
0xb9: {  	s30 =	sld [smem:$0x0];
	_ =	sdelay $0x2  }
0xba: {  	s31 =	sshll.u32 s1, $0xD;
	s1 =	sshrl.u32 s1, $0x2  }
0xbb: {  	s3 =	sand.u32 $0x4000, s31;
	s1 =	sadd.s32 s1, s30  }
0xbc: {  	s0 =	sor.u32 s3, s0;
	s1 =	sshll.u32 s1, $0x11  }
0xbd: {  	s0 =	sor.u32 s1, s0  }
0xbe: {  	s0 =	sadd.s32 $0x8F2B, s0  }
0xbf: {  	[sflag:s0] =	ssyncadd.remote.s32 $0x1  }
0xc0: {  	_ =	sfence.sel $0xFFFF  }
0xc1: {  	[dreg:$0x0] =	wrdreg $0xFFFFFFFF;
	(pc) =	sbr.abs _section_cstart, $3  }
0xc2: {  	[dreg:$0x1] =	wrdreg $0xFFFFFFFF  }
0xc3: {  	_ =	task.clear_ibuf [dreg:s8], $0x2FFFF;
	_ =	strace $0x9FFFFFFF  }
0xc4: {  	(tm) =	ssettm $0x7FFFFFFF  }
0xc5: {  	_ =	shalt  }
tec
execute0_lowered:
.L_overlay_start_1:
0x0: {  	(tag) =	ssettag $0x1  }
0x1: {  	s0 =	rddreg [dreg:$0x0];
	s1 =	srdreg.scid  }
0x2: {  	s9 =	stileid.u32;
	s2 =	rddreg [dreg:$0x1]  }
0x3: {  	s4 =	rddreg [dreg:$0x2];
	s11 =	simm.s32 $0x1900;
	s10 =	simm.s32 $0xC100  }
0x4: {  	s12 =	simm.s32 $0xE100;
	s13 =	simm.s32 $0xE900;
	s14 =	simm.s32 $0xF100  }
0x5: {  	s15 =	simm.s32 $0xF900;
	s16 =	simm.s32 $0x10100;
	s17 =	simm.s32 $0x10900  }
0x6: {  	s18 =	simm.s32 $0x11100;
	s19 =	simm.s32 $0x11900;
	s20 =	simm.s32 $0x12100  }
0x7: {  	s21 =	simm.s32 $0x12900;
	s22 =	simm.s32 $0x13100;
	s23 =	simm.s32 $0x13900  }
0x8: {  	s28 =	simm.s32 $0x1;
	s29 =	simm.s32 $0x3;
	s30 =	simm.s32 $0x2  }
0x9: {  	s31 =	simm.s32 $0x4;
	s1 =	sand.u32 $0x1, s1;
	s3 =	sshll.u32 s9, $0x1  }
0xa: {  	s9 =	smul.u32 $0x190000, s9;
	s5 =	sor.u32 s1, s3;
	s3 =	simm.s32 $0x0  }
0xb: {  	s6 =	ssub.s32 $0x2, s1;
	s24 =	smul.u32 $0xC8000, s1;
	s1 =	simm.s32 $0xB900  }
0xc: {  	s5 =	smul.u32 $0x1900, s5;
	[smem:$0x7FF] =	sst s3;
	s7 =	sshrl.u32 s6, $0x1  }
0xd: {  	s25 =	sadd.s32 s9, s4;
	s4 =	simm.s32 $0x0;
	_ =	strace $0x80000047  }
.Ltmp0:
0xe: {  	s8 =	ssub.s32 s6, s7;
	s6 =	sadd.s32 $0x200, s2;
	(pc) =	sbr.rel .LBB2_1-.Ltmp0, $4  }
0xf: {  	s7 =	sadd.s32 $0x300, s2;
	s9 =	sadd.s32 s24, s25;
	s5 =	sshrl.u32 s5, $0x3  }
0x10: {  	v2 =	vlaneseq.u32;
	s24 =	simm.s32 $0x14100;
	s26 =	smax.u32 s8, $0x1;
	s0 =	sadd.s32 s5, s0  }
0x11: {  	vm0 =	vmmov $0xffff;
	v1 =	vshrl.u32 v2, $0x3;
	s25 =	simm.s32 $0x14900;
	[dreg:$0x5] =	wrdreg s26;
	s0 =	sadd.s32 $0x400, s0  }
0x12: {  	v0 =	vand.u32 $0x7, v2;
	v2 =	vor.u32 $0x8, v2;
	v1 =	vmul.u32 $0x8, v1;
	s5 =	sadd.s32 $0x100, s2;
	s26 =	simm.s32 $0x15100;
	[dreg:$0x4] =	wrdreg s0  }
.LBB2_6:
0x13: {  	s4 =	rddreg [dreg:$0x6]  }
0x14: {  	s0 =	rddreg [dreg:$0x5];
	s4 =	sadd.s32 $0x1, s4  }
0x15: {  	p0 =	sne.s32 s4, s0  }
.Ltmp1:
0x16: {  	_ = 	snop;
	(pc) =	sbr.rel @!p0 .LBB2_7-.Ltmp1, $1  }
0x17: {  	_ =	sdelay $0x3  }
.LBB2_1:
0x18: {  	[dreg:$0x6] =	wrdreg s4  }
0x19: {  	s0 =	rddreg [dreg:$0x4];
	s8 =	simm.s32 $0x5  }
0x1a: {  	[tilespmem:s3], [sflag:$0x5] =	stream.linear.gather [hbm4b:s0+s3], $0x1900, $0x38;
	[tilespmem:$0x15900] =	vst v63  }
0x1b: {  	_ =	swait.ge [sflag:s8], $0x1900  }
0x1c: {  	[sflag:s8] =	ssyncset.done $0x0  }
0x1d: {  	[sflag:s8] =	ssyncadd.s32 $0xFFFFE700  }
0x1e: {  	v3 =	vld [tilespmem:$0x0];
	_ =	sdelay $0x4  }
0x1f: {  	v4 =	vshll.u32 v3, $0x3  }
0x20: {  	v3 =	vand.u32 $0x7, v3;
	v4 =	vand.u32 $0xFFFFFFC0, v4  }
0x21: {  	v3 =	vor.u32 v3, v4  }
0x22: {  	v4 =	vperm.xlane v3, v0;
	_ =	sdelay $0x1  }
0x23: {  	v4 =	vadd.s32 v1, v4;
	_ =	sdelay $0x4  }
0x24: {  	[tilespmem:s11], [sflag:$0x1] =	stream.indirect_vreg.gather [hbm4b:s2+s3], $0x80, v4, vm0, $0xb8;
	[tilespmem:$0x15900] =	vst v63  }
0x25: {  	s4 =	simm.s32 $0x2100;
	v3 =	vperm.xlane v3, v2  }
0x26: {  	[tilespmem:s4], [sflag:$0x1] =	stream.indirect_vreg.gather [hbm4b:s5+s3], $0x80, v4, vm0, $0xb8;
	[tilespmem:$0x15900] =	vst v63  }
0x27: {  	s8 =	simm.s32 $0x2900;
	v3 =	vadd.s32 v1, v3  }
0x28: {  	[tilespmem:s8], [sflag:$0x1] =	stream.indirect_vreg.gather [hbm4b:s6+s3], $0x80, v4, vm0, $0xb8;
	[tilespmem:$0x15900] =	vst v63  }
0x29: {  	s4 =	simm.s32 $0x3100  }
0x2a: {  	[tilespmem:s4], [sflag:$0x1] =	stream.indirect_vreg.gather [hbm4b:s7+s3], $0x80, v4, vm0, $0xb8;
	[tilespmem:$0x15900] =	vst v63  }
0x2b: {  	s8 =	simm.s32 $0x3900  }
0x2c: {  	[tilespmem:s8], [sflag:$0x1] =	stream.indirect_vreg.gather [hbm4b:s2+s3], $0x80, v3, vm0, $0xb8;
	[tilespmem:$0x15900] =	vst v63  }
0x2d: {  	s4 =	simm.s32 $0x4100  }
0x2e: {  	[tilespmem:s4], [sflag:$0x1] =	stream.indirect_vreg.gather [hbm4b:s5+s3], $0x80, v3, vm0, $0xb8;
	[tilespmem:$0x15900] =	vst v63  }
0x2f: {  	s8 =	simm.s32 $0x4900  }
0x30: {  	[tilespmem:s8], [sflag:$0x1] =	stream.indirect_vreg.gather [hbm4b:s6+s3], $0x80, v3, vm0, $0xb8;
	[tilespmem:$0x15900] =	vst v63  }
0x31: {  	s4 =	simm.s32 $0x5100  }
0x32: {  	[tilespmem:s4], [sflag:$0x1] =	stream.indirect_vreg.gather [hbm4b:s7+s3], $0x80, v3, vm0, $0xb8;
	[tilespmem:$0x15900] =	vst v63  }
0x33: {  	v3 =	vld [tilespmem:$0x10];
	_ =	sdelay $0x4  }
0x34: {  	v59 =	vshll.u32 v3, $0x3  }
0x35: {  	v3 =	vand.u32 $0x7, v3;
	v4 =	vand.u32 $0xFFFFFFC0, v59  }
0x36: {  	v3 =	vor.u32 v3, v4  }
0x37: {  	v4 =	vperm.xlane v3, v0;
	_ =	sdelay $0x1  }
0x38: {  	v4 =	vadd.s32 v1, v4;
	_ =	sdelay $0x3  }
0x39: {  	s8 =	simm.s32 $0x5900  }
0x3a: {  	[tilespmem:s8], [sflag:$0x1] =	stream.indirect_vreg.gather [hbm4b:s2+s3], $0x80, v4, vm0, $0xb8;
	[tilespmem:$0x15900] =	vst v63  }
0x3b: {  	s4 =	simm.s32 $0x6100;
	v3 =	vperm.xlane v3, v2  }
0x3c: {  	[tilespmem:s4], [sflag:$0x1] =	stream.indirect_vreg.gather [hbm4b:s5+s3], $0x80, v4, vm0, $0xb8;
	[tilespmem:$0x15900] =	vst v63  }
0x3d: {  	v3 =	vadd.s32 v1, v3;
	s8 =	simm.s32 $0x6900  }
0x3e: {  	[tilespmem:s8], [sflag:$0x1] =	stream.indirect_vreg.gather [hbm4b:s6+s3], $0x80, v4, vm0, $0xb8;
	[tilespmem:$0x15900] =	vst v63  }
0x3f: {  	s4 =	simm.s32 $0x7100  }
0x40: {  	[tilespmem:s4], [sflag:$0x1] =	stream.indirect_vreg.gather [hbm4b:s7+s3], $0x80, v4, vm0, $0xb8;
	[tilespmem:$0x15900] =	vst v63  }
0x41: {  	s8 =	simm.s32 $0x7900  }
0x42: {  	[tilespmem:s8], [sflag:$0x1] =	stream.indirect_vreg.gather [hbm4b:s2+s3], $0x80, v3, vm0, $0xb8;
	[tilespmem:$0x15900] =	vst v63  }
0x43: {  	s4 =	simm.s32 $0x8100  }
0x44: {  	[tilespmem:s4], [sflag:$0x1] =	stream.indirect_vreg.gather [hbm4b:s5+s3], $0x80, v3, vm0, $0xb8;
	[tilespmem:$0x15900] =	vst v63  }
0x45: {  	s8 =	simm.s32 $0x8900  }
0x46: {  	[tilespmem:s8], [sflag:$0x1] =	stream.indirect_vreg.gather [hbm4b:s6+s3], $0x80, v3, vm0, $0xb8;
	[tilespmem:$0x15900] =	vst v63  }
0x47: {  	s4 =	simm.s32 $0x9100  }
0x48: {  	[tilespmem:s4], [sflag:$0x1] =	stream.indirect_vreg.gather [hbm4b:s7+s3], $0x80, v3, vm0, $0xb8;
	[tilespmem:$0x15900] =	vst v63  }
0x49: {  	v3 =	vld.msk [tilespmem:$0x20], $0xff;
	_ =	sdelay $0x4  }
0x4a: {  	v60 =	vshll.u32 v3, $0x3  }
0x4b: {  	v3 =	vand.u32 $0x7, v3;
	v4 =	vand.u32 $0xFFFFFFC0, v60  }
0x4c: {  	v3 =	vor.u32 v3, v4  }
0x4d: {  	v3 =	vperm.xlane v3, v0;
	_ =	sdelay $0x1  }
0x4e: {  	v3 =	vadd.s32 v1, v3;
	_ =	sdelay $0x3  }
0x4f: {  	s8 =	simm.s32 $0x9900  }
0x50: {  	[tilespmem:s8], [sflag:$0x1] =	stream.indirect_vreg.gather [hbm4b:s2+s3], $0x80, v3, vm0, $0xb8;
	[tilespmem:$0x15900] =	vst v63  }
0x51: {  	s4 =	simm.s32 $0xA100  }
0x52: {  	[tilespmem:s4], [sflag:$0x1] =	stream.indirect_vreg.gather [hbm4b:s5+s3], $0x80, v3, vm0, $0xb8;
	[tilespmem:$0x15900] =	vst v63  }
0x53: {  	s8 =	simm.s32 $0xA900  }
0x54: {  	[tilespmem:s8], [sflag:$0x1] =	stream.indirect_vreg.gather [hbm4b:s6+s3], $0x80, v3, vm0, $0xb8;
	[tilespmem:$0x15900] =	vst v63  }
0x55: {  	s4 =	simm.s32 $0xB100  }
0x56: {  	[tilespmem:s4], [sflag:$0x1] =	stream.indirect_vreg.gather [hbm4b:s7+s3], $0x80, v3, vm0, $0xb8;
	[tilespmem:$0x15900] =	vst v63  }
0x57: {  	v3 =	vld [tilespmem:$0x28];
	_ =	sdelay $0x4  }
0x58: {  	v61 =	vshll.u32 v3, $0x3  }
0x59: {  	v3 =	vand.u32 $0x7, v3;
	v4 =	vand.u32 $0xFFFFFFC0, v61  }
0x5a: {  	v3 =	vor.u32 v3, v4  }
0x5b: {  	v4 =	vperm.xlane v3, v0;
	_ =	sdelay $0x1  }
0x5c: {  	v4 =	vadd.s32 v1, v4;
	_ =	sdelay $0x4  }
0x5d: {  	[tilespmem:s1], [sflag:$0x2] =	stream.indirect_vreg.gather [hbm4b:s2+s3], $0x80, v4, vm0, $0xb8;
	[tilespmem:$0x15900] =	vst v63  }
0x5e: {  	v3 =	vperm.xlane v3, v2  }
0x5f: {  	[tilespmem:s10], [sflag:$0x2] =	stream.indirect_vreg.gather [hbm4b:s5+s3], $0x80, v4, vm0, $0xb8;
	[tilespmem:$0x15900] =	vst v63  }
0x60: {  	s8 =	simm.s32 $0xC900;
	v3 =	vadd.s32 v1, v3  }
0x61: {  	[tilespmem:s8], [sflag:$0x2] =	stream.indirect_vreg.gather [hbm4b:s6+s3], $0x80, v4, vm0, $0xb8;
	[tilespmem:$0x15900] =	vst v63  }
0x62: {  	s4 =	simm.s32 $0xD100  }
0x63: {  	[tilespmem:s4], [sflag:$0x2] =	stream.indirect_vreg.gather [hbm4b:s7+s3], $0x80, v4, vm0, $0xb8;
	[tilespmem:$0x15900] =	vst v63  }
0x64: {  	s8 =	simm.s32 $0xD900  }
0x65: {  	[tilespmem:s8], [sflag:$0x2] =	stream.indirect_vreg.gather [hbm4b:s2+s3], $0x80, v3, vm0, $0xb8;
	[tilespmem:$0x15900] =	vst v63  }
0x66: {  	_ = 	snop  }
0x67: {  	[tilespmem:s12], [sflag:$0x2] =	stream.indirect_vreg.gather [hbm4b:s5+s3], $0x80, v3, vm0, $0xb8;
	[tilespmem:$0x15900] =	vst v63  }
0x68: {  	_ = 	snop  }
0x69: {  	[tilespmem:s13], [sflag:$0x2] =	stream.indirect_vreg.gather [hbm4b:s6+s3], $0x80, v3, vm0, $0xb8;
	[tilespmem:$0x15900] =	vst v63  }
0x6a: {  	_ = 	snop  }
0x6b: {  	[tilespmem:s14], [sflag:$0x2] =	stream.indirect_vreg.gather [hbm4b:s7+s3], $0x80, v3, vm0, $0xb8;
	[tilespmem:$0x15900] =	vst v63  }
0x6c: {  	v3 =	vld [tilespmem:$0x38];
	_ =	sdelay $0x4  }
0x6d: {  	v62 =	vshll.u32 v3, $0x3  }
0x6e: {  	v3 =	vand.u32 $0x7, v3;
	v4 =	vand.u32 $0xFFFFFFC0, v62  }
0x6f: {  	v3 =	vor.u32 v3, v4  }
0x70: {  	v4 =	vperm.xlane v3, v0;
	_ =	sdelay $0x1  }
0x71: {  	v4 =	vadd.s32 v1, v4;
	_ =	sdelay $0x4  }
0x72: {  	[tilespmem:s15], [sflag:$0x2] =	stream.indirect_vreg.gather [hbm4b:s2+s3], $0x80, v4, vm0, $0xb8;
	[tilespmem:$0x15900] =	vst v63  }
0x73: {  	v3 =	vperm.xlane v3, v2  }
0x74: {  	[tilespmem:s16], [sflag:$0x2] =	stream.indirect_vreg.gather [hbm4b:s5+s3], $0x80, v4, vm0, $0xb8;
	[tilespmem:$0x15900] =	vst v63  }
0x75: {  	v3 =	vadd.s32 v1, v3  }
0x76: {  	[tilespmem:s17], [sflag:$0x2] =	stream.indirect_vreg.gather [hbm4b:s6+s3], $0x80, v4, vm0, $0xb8;
	[tilespmem:$0x15900] =	vst v63  }
0x77: {  	_ = 	snop  }
0x78: {  	[tilespmem:s18], [sflag:$0x2] =	stream.indirect_vreg.gather [hbm4b:s7+s3], $0x80, v4, vm0, $0xb8;
	[tilespmem:$0x15900] =	vst v63  }
0x79: {  	_ = 	snop  }
0x7a: {  	[tilespmem:s19], [sflag:$0x2] =	stream.indirect_vreg.gather [hbm4b:s2+s3], $0x80, v3, vm0, $0xb8;
	[tilespmem:$0x15900] =	vst v63  }
0x7b: {  	_ = 	snop  }
0x7c: {  	[tilespmem:s20], [sflag:$0x2] =	stream.indirect_vreg.gather [hbm4b:s5+s3], $0x80, v3, vm0, $0xb8;
	[tilespmem:$0x15900] =	vst v63  }
0x7d: {  	_ = 	snop  }
0x7e: {  	[tilespmem:s21], [sflag:$0x2] =	stream.indirect_vreg.gather [hbm4b:s6+s3], $0x80, v3, vm0, $0xb8;
	[tilespmem:$0x15900] =	vst v63  }
0x7f: {  	_ = 	snop  }
0x80: {  	[tilespmem:s22], [sflag:$0x2] =	stream.indirect_vreg.gather [hbm4b:s7+s3], $0x80, v3, vm0, $0xb8;
	[tilespmem:$0x15900] =	vst v63  }
0x81: {  	v3 =	vld.msk [tilespmem:$0x48], $0xff;
	_ =	sdelay $0x4  }
0x82: {  	v63 =	vshll.u32 v3, $0x3  }
0x83: {  	v3 =	vand.u32 $0x7, v3;
	v4 =	vand.u32 $0xFFFFFFC0, v63  }
0x84: {  	v3 =	vor.u32 v3, v4  }
0x85: {  	v3 =	vperm.xlane v3, v0;
	_ =	sdelay $0x1  }
0x86: {  	v3 =	vadd.s32 v1, v3;
	_ =	sdelay $0x4  }
0x87: {  	[tilespmem:s23], [sflag:$0x2] =	stream.indirect_vreg.gather [hbm4b:s2+s3], $0x80, v3, vm0, $0xb8;
	[tilespmem:$0x15900] =	vst v63  }
0x88: {  	_ = 	snop  }
0x89: {  	[tilespmem:s24], [sflag:$0x2] =	stream.indirect_vreg.gather [hbm4b:s5+s3], $0x80, v3, vm0, $0xb8;
	[tilespmem:$0x15900] =	vst v63  }
0x8a: {  	_ = 	snop  }
0x8b: {  	[tilespmem:s25], [sflag:$0x2] =	stream.indirect_vreg.gather [hbm4b:s6+s3], $0x80, v3, vm0, $0xb8;
	[tilespmem:$0x15900] =	vst v63  }
0x8c: {  	s0 =	simm.s32 $0x98;
	s4 =	simm.s32 $0x0  }
0x8d: {  	[tilespmem:s26], [sflag:$0x2] =	stream.indirect_vreg.gather [hbm4b:s7+s3], $0x80, v3, vm0, $0xb8;
	[tilespmem:$0x15900] =	vst v63  }
.LBB2_2:
0x8e: {  	_ =	swait.ge [sflag:s28], $0xA000  }
0x8f: {  	p0 =	seq.s32 s4, $0xC5800;
	[sflag:s28] =	ssyncset.done $0x0  }
.Ltmp2:
0x90: {  	s8 =	sadd.s32 s4, s9;
	[sflag:s28] =	ssyncadd.s32 $0xFFFF6000;
	(pc) =	sbr.rel @p0 .LBB2_4-.Ltmp2, $4  }
0x91: {  	[hbm4b:s8+s3] =	stream.linear.scatter [tilespmem:s11], [sflag:$0x3], $0xA000, $0x38;
	[tilespmem:$0x15900] =	vst v63  }
0x92: {  	_ =	swait.ge [sflag:s29], $0xA000  }
0x93: {  	[sflag:s29] =	ssyncset.done $0x0  }
0x94: {  	[sflag:s29] =	ssyncadd.s32 $0xFFFF6000  }
0x95: {  	v3 =	vld [tilespmem:s0+$0xFFFFFFB8];
	_ =	sdelay $0x4  }
0x96: {  	v4 =	vshll.u32 v3, $0x3  }
0x97: {  	v3 =	vand.u32 $0x7, v3;
	v4 =	vand.u32 $0xFFFFFFC0, v4  }
0x98: {  	v3 =	vor.u32 v3, v4  }
0x99: {  	v4 =	vperm.xlane v3, v0;
	_ =	sdelay $0x1  }
0x9a: {  	v4 =	vadd.s32 v1, v4;
	_ =	sdelay $0x4  }
0x9b: {  	[tilespmem:s11], [sflag:$0x1] =	stream.indirect_vreg.gather [hbm4b:s2+s3], $0x80, v4, vm0, $0xb8;
	[tilespmem:$0x15900] =	vst v63  }
0x9c: {  	s10 =	simm.s32 $0x2100;
	v3 =	vperm.xlane v3, v2  }
0x9d: {  	[tilespmem:s10], [sflag:$0x1] =	stream.indirect_vreg.gather [hbm4b:s5+s3], $0x80, v4, vm0, $0xb8;
	[tilespmem:$0x15900] =	vst v63  }
0x9e: {  	v3 =	vadd.s32 v1, v3;
	s10 =	simm.s32 $0x2900  }
0x9f: {  	[tilespmem:s10], [sflag:$0x1] =	stream.indirect_vreg.gather [hbm4b:s6+s3], $0x80, v4, vm0, $0xb8;
	[tilespmem:$0x15900] =	vst v63  }
0xa0: {  	s10 =	simm.s32 $0x3100  }
0xa1: {  	[tilespmem:s10], [sflag:$0x1] =	stream.indirect_vreg.gather [hbm4b:s7+s3], $0x80, v4, vm0, $0xb8;
	[tilespmem:$0x15900] =	vst v63  }
0xa2: {  	s10 =	simm.s32 $0x3900  }
0xa3: {  	[tilespmem:s10], [sflag:$0x1] =	stream.indirect_vreg.gather [hbm4b:s2+s3], $0x80, v3, vm0, $0xb8;
	[tilespmem:$0x15900] =	vst v63  }
0xa4: {  	s10 =	simm.s32 $0x4100  }
0xa5: {  	[tilespmem:s10], [sflag:$0x1] =	stream.indirect_vreg.gather [hbm4b:s5+s3], $0x80, v3, vm0, $0xb8;
	[tilespmem:$0x15900] =	vst v63  }
0xa6: {  	s10 =	simm.s32 $0x4900  }
0xa7: {  	[tilespmem:s10], [sflag:$0x1] =	stream.indirect_vreg.gather [hbm4b:s6+s3], $0x80, v3, vm0, $0xb8;
	[tilespmem:$0x15900] =	vst v63  }
0xa8: {  	s10 =	simm.s32 $0x5100  }
0xa9: {  	[tilespmem:s10], [sflag:$0x1] =	stream.indirect_vreg.gather [hbm4b:s7+s3], $0x80, v3, vm0, $0xb8;
	[tilespmem:$0x15900] =	vst v63  }
0xaa: {  	v3 =	vld [tilespmem:s0+$0xFFFFFFC8];
	_ =	sdelay $0x4  }
0xab: {  	v62 =	vshll.u32 v3, $0x3  }
0xac: {  	v3 =	vand.u32 $0x7, v3;
	v4 =	vand.u32 $0xFFFFFFC0, v62  }
0xad: {  	v3 =	vor.u32 v3, v4  }
0xae: {  	v4 =	vperm.xlane v3, v0;
	_ =	sdelay $0x1  }
0xaf: {  	v4 =	vadd.s32 v1, v4;
	_ =	sdelay $0x3  }
0xb0: {  	s10 =	simm.s32 $0x5900  }
0xb1: {  	[tilespmem:s10], [sflag:$0x1] =	stream.indirect_vreg.gather [hbm4b:s2+s3], $0x80, v4, vm0, $0xb8;
	[tilespmem:$0x15900] =	vst v63  }
0xb2: {  	v3 =	vperm.xlane v3, v2;
	s10 =	simm.s32 $0x6100  }
0xb3: {  	[tilespmem:s10], [sflag:$0x1] =	stream.indirect_vreg.gather [hbm4b:s5+s3], $0x80, v4, vm0, $0xb8;
	[tilespmem:$0x15900] =	vst v63  }
0xb4: {  	v3 =	vadd.s32 v1, v3;
	s10 =	simm.s32 $0x6900  }
0xb5: {  	[tilespmem:s10], [sflag:$0x1] =	stream.indirect_vreg.gather [hbm4b:s6+s3], $0x80, v4, vm0, $0xb8;
	[tilespmem:$0x15900] =	vst v63  }
0xb6: {  	s10 =	simm.s32 $0x7100  }
0xb7: {  	[tilespmem:s10], [sflag:$0x1] =	stream.indirect_vreg.gather [hbm4b:s7+s3], $0x80, v4, vm0, $0xb8;
	[tilespmem:$0x15900] =	vst v63  }
0xb8: {  	s10 =	simm.s32 $0x7900  }
0xb9: {  	[tilespmem:s10], [sflag:$0x1] =	stream.indirect_vreg.gather [hbm4b:s2+s3], $0x80, v3, vm0, $0xb8;
	[tilespmem:$0x15900] =	vst v63  }
0xba: {  	s10 =	simm.s32 $0x8100  }
0xbb: {  	[tilespmem:s10], [sflag:$0x1] =	stream.indirect_vreg.gather [hbm4b:s5+s3], $0x80, v3, vm0, $0xb8;
	[tilespmem:$0x15900] =	vst v63  }
0xbc: {  	s10 =	simm.s32 $0x8900  }
0xbd: {  	[tilespmem:s10], [sflag:$0x1] =	stream.indirect_vreg.gather [hbm4b:s6+s3], $0x80, v3, vm0, $0xb8;
	[tilespmem:$0x15900] =	vst v63  }
0xbe: {  	s10 =	simm.s32 $0x9100  }
0xbf: {  	[tilespmem:s10], [sflag:$0x1] =	stream.indirect_vreg.gather [hbm4b:s7+s3], $0x80, v3, vm0, $0xb8;
	[tilespmem:$0x15900] =	vst v63  }
0xc0: {  	v3 =	vld.msk [tilespmem:s0+$0xFFFFFFD8], $0xff;
	_ =	sdelay $0x4  }
0xc1: {  	v63 =	vshll.u32 v3, $0x3  }
0xc2: {  	v3 =	vand.u32 $0x7, v3;
	v4 =	vand.u32 $0xFFFFFFC0, v63  }
0xc3: {  	v3 =	vor.u32 v3, v4  }
0xc4: {  	v3 =	vperm.xlane v3, v0;
	_ =	sdelay $0x1  }
0xc5: {  	v3 =	vadd.s32 v1, v3;
	_ =	sdelay $0x3  }
0xc6: {  	s10 =	simm.s32 $0x9900  }
0xc7: {  	[tilespmem:s10], [sflag:$0x1] =	stream.indirect_vreg.gather [hbm4b:s2+s3], $0x80, v3, vm0, $0xb8;
	[tilespmem:$0x15900] =	vst v63  }
0xc8: {  	s10 =	simm.s32 $0xA100  }
0xc9: {  	[tilespmem:s10], [sflag:$0x1] =	stream.indirect_vreg.gather [hbm4b:s5+s3], $0x80, v3, vm0, $0xb8;
	[tilespmem:$0x15900] =	vst v63  }
0xca: {  	s10 =	simm.s32 $0xA900  }
0xcb: {  	[tilespmem:s10], [sflag:$0x1] =	stream.indirect_vreg.gather [hbm4b:s6+s3], $0x80, v3, vm0, $0xb8;
	[tilespmem:$0x15900] =	vst v63  }
0xcc: {  	s10 =	simm.s32 $0xB100  }
0xcd: {  	[tilespmem:s10], [sflag:$0x1] =	stream.indirect_vreg.gather [hbm4b:s7+s3], $0x80, v3, vm0, $0xb8;
	[tilespmem:$0x15900] =	vst v63  }
0xce: {  	s10 =	simm.s32 $0xC100  }
.LBB2_4:
0xcf: {  	_ =	swait.ge [sflag:s30], $0xA000  }
0xd0: {  	[sflag:s30] =	ssyncset.done $0x0  }
.Ltmp3:
0xd1: {  	s8 =	sadd.s32 $0x1400, s8;
	[sflag:s30] =	ssyncadd.s32 $0xFFFF6000;
	(pc) =	sbr.rel @p0 .LBB2_6-.Ltmp3, $4  }
0xd2: {  	[hbm4b:s8+s3] =	stream.linear.scatter [tilespmem:s1], [sflag:$0x4], $0xA000, $0x38;
	[tilespmem:$0x15900] =	vst v63  }
0xd3: {  	_ =	swait.ge [sflag:s31], $0xA000  }
0xd4: {  	[sflag:s31] =	ssyncset.done $0x0  }
0xd5: {  	[sflag:s31] =	ssyncadd.s32 $0xFFFF6000  }
0xd6: {  	v3 =	vld [tilespmem:s0+$0xFFFFFFE0];
	_ =	sdelay $0x4  }
0xd7: {  	v4 =	vshll.u32 v3, $0x3  }
0xd8: {  	v3 =	vand.u32 $0x7, v3;
	v4 =	vand.u32 $0xFFFFFFC0, v4  }
0xd9: {  	v3 =	vor.u32 v3, v4  }
0xda: {  	v4 =	vperm.xlane v3, v0;
	_ =	sdelay $0x1  }
0xdb: {  	v4 =	vadd.s32 v1, v4;
	_ =	sdelay $0x4  }
0xdc: {  	[tilespmem:s1], [sflag:$0x2] =	stream.indirect_vreg.gather [hbm4b:s2+s3], $0x80, v4, vm0, $0xb8;
	[tilespmem:$0x15900] =	vst v63  }
0xdd: {  	v3 =	vperm.xlane v3, v2  }
0xde: {  	[tilespmem:s10], [sflag:$0x2] =	stream.indirect_vreg.gather [hbm4b:s5+s3], $0x80, v4, vm0, $0xb8;
	[tilespmem:$0x15900] =	vst v63  }
0xdf: {  	s8 =	simm.s32 $0xC900;
	v3 =	vadd.s32 v1, v3  }
0xe0: {  	[tilespmem:s8], [sflag:$0x2] =	stream.indirect_vreg.gather [hbm4b:s6+s3], $0x80, v4, vm0, $0xb8;
	[tilespmem:$0x15900] =	vst v63  }
0xe1: {  	s8 =	simm.s32 $0xD100  }
0xe2: {  	[tilespmem:s8], [sflag:$0x2] =	stream.indirect_vreg.gather [hbm4b:s7+s3], $0x80, v4, vm0, $0xb8;
	[tilespmem:$0x15900] =	vst v63  }
0xe3: {  	s8 =	simm.s32 $0xD900  }
0xe4: {  	[tilespmem:s8], [sflag:$0x2] =	stream.indirect_vreg.gather [hbm4b:s2+s3], $0x80, v3, vm0, $0xb8;
	[tilespmem:$0x15900] =	vst v63  }
0xe5: {  	_ = 	snop  }
0xe6: {  	[tilespmem:s12], [sflag:$0x2] =	stream.indirect_vreg.gather [hbm4b:s5+s3], $0x80, v3, vm0, $0xb8;
	[tilespmem:$0x15900] =	vst v63  }
0xe7: {  	_ = 	snop  }
0xe8: {  	[tilespmem:s13], [sflag:$0x2] =	stream.indirect_vreg.gather [hbm4b:s6+s3], $0x80, v3, vm0, $0xb8;
	[tilespmem:$0x15900] =	vst v63  }
0xe9: {  	_ = 	snop  }
0xea: {  	[tilespmem:s14], [sflag:$0x2] =	stream.indirect_vreg.gather [hbm4b:s7+s3], $0x80, v3, vm0, $0xb8;
	[tilespmem:$0x15900] =	vst v63  }
0xeb: {  	v3 =	vld [tilespmem:s0+$0xFFFFFFF0];
	_ =	sdelay $0x4  }
0xec: {  	v62 =	vshll.u32 v3, $0x3  }
0xed: {  	v3 =	vand.u32 $0x7, v3;
	v4 =	vand.u32 $0xFFFFFFC0, v62  }
0xee: {  	v3 =	vor.u32 v3, v4  }
0xef: {  	v4 =	vperm.xlane v3, v0;
	_ =	sdelay $0x1  }
0xf0: {  	v4 =	vadd.s32 v1, v4;
	_ =	sdelay $0x4  }
0xf1: {  	[tilespmem:s15], [sflag:$0x2] =	stream.indirect_vreg.gather [hbm4b:s2+s3], $0x80, v4, vm0, $0xb8;
	[tilespmem:$0x15900] =	vst v63  }
0xf2: {  	v3 =	vperm.xlane v3, v2  }
0xf3: {  	[tilespmem:s16], [sflag:$0x2] =	stream.indirect_vreg.gather [hbm4b:s5+s3], $0x80, v4, vm0, $0xb8;
	[tilespmem:$0x15900] =	vst v63  }
0xf4: {  	v3 =	vadd.s32 v1, v3  }
0xf5: {  	[tilespmem:s17], [sflag:$0x2] =	stream.indirect_vreg.gather [hbm4b:s6+s3], $0x80, v4, vm0, $0xb8;
	[tilespmem:$0x15900] =	vst v63  }
0xf6: {  	_ = 	snop  }
0xf7: {  	[tilespmem:s18], [sflag:$0x2] =	stream.indirect_vreg.gather [hbm4b:s7+s3], $0x80, v4, vm0, $0xb8;
	[tilespmem:$0x15900] =	vst v63  }
0xf8: {  	_ = 	snop  }
0xf9: {  	[tilespmem:s19], [sflag:$0x2] =	stream.indirect_vreg.gather [hbm4b:s2+s3], $0x80, v3, vm0, $0xb8;
	[tilespmem:$0x15900] =	vst v63  }
0xfa: {  	_ = 	snop  }
0xfb: {  	[tilespmem:s20], [sflag:$0x2] =	stream.indirect_vreg.gather [hbm4b:s5+s3], $0x80, v3, vm0, $0xb8;
	[tilespmem:$0x15900] =	vst v63  }
0xfc: {  	_ = 	snop  }
0xfd: {  	[tilespmem:s21], [sflag:$0x2] =	stream.indirect_vreg.gather [hbm4b:s6+s3], $0x80, v3, vm0, $0xb8;
	[tilespmem:$0x15900] =	vst v63  }
0xfe: {  	_ = 	snop  }
0xff: {  	[tilespmem:s22], [sflag:$0x2] =	stream.indirect_vreg.gather [hbm4b:s7+s3], $0x80, v3, vm0, $0xb8;
	[tilespmem:$0x15900] =	vst v63  }
0x100: {  	v3 =	vld.msk [tilespmem:s0+$0x0], $0xff;
	_ =	sdelay $0x4  }
0x101: {  	v63 =	vshll.u32 v3, $0x3  }
0x102: {  	v3 =	vand.u32 $0x7, v3;
	v4 =	vand.u32 $0xFFFFFFC0, v63  }
0x103: {  	v3 =	vor.u32 v3, v4  }
0x104: {  	v3 =	vperm.xlane v3, v0;
	_ =	sdelay $0x1  }
0x105: {  	v3 =	vadd.s32 v1, v3;
	_ =	sdelay $0x4  }
0x106: {  	[tilespmem:s23], [sflag:$0x2] =	stream.indirect_vreg.gather [hbm4b:s2+s3], $0x80, v3, vm0, $0xb8;
	[tilespmem:$0x15900] =	vst v63  }
0x107: {  	_ = 	snop  }
0x108: {  	[tilespmem:s24], [sflag:$0x2] =	stream.indirect_vreg.gather [hbm4b:s5+s3], $0x80, v3, vm0, $0xb8;
	[tilespmem:$0x15900] =	vst v63  }
.Ltmp4:
0x109: {  	_ = 	snop;
	(pc) =	sbr.rel .LBB2_2-.Ltmp4, $4  }
0x10a: {  	_ = 	snop  }
0x10b: {  	[tilespmem:s25], [sflag:$0x2] =	stream.indirect_vreg.gather [hbm4b:s6+s3], $0x80, v3, vm0, $0xb8;
	[tilespmem:$0x15900] =	vst v63  }
0x10c: {  	s4 =	sadd.s32 $0x2800, s4;
	s0 =	sadd.s32 $0x50, s0  }
0x10d: {  	[tilespmem:s26], [sflag:$0x2] =	stream.indirect_vreg.gather [hbm4b:s7+s3], $0x80, v3, vm0, $0xb8;
	[tilespmem:$0x15900] =	vst v63  }
.LBB2_7:
0x10e: {  	_ =	sfence.sel $0x180000  }
0x10f: {  	[bflag:$0x0] =	sbarrier.arrive $0xFFFF  }
0x110: {  	_ =	strace $0x90000047  }
0x111: {  	s0 =	stileid.u32;
	[bflag:$0x2] =	sbarrier.arrive $0xFFFF  }
0x112: {  	p0 =	sne.s32 s0, $0x0;
	s0 =	rddreg [dreg:$0x3]  }
0x113: {  	s0 =	sadd.s32 @!p0 $0x100000, s0  }
0x114: {  	[sflag:s0] =	ssyncadd.tile.s32 @!p0 $0x1;
	_ =	shalt  }
.Lfunc_end2:
_tile_overlayer_lowered:
.L_overlay_start_2:
0x115: {  	(tag) =	ssettag $0x2  }
0x116: {  	s0 =	rddreg [dreg:$0x0];
	s2 =	stileid.u32  }
0x117: {  	s1 =	rddreg [dreg:$0x1];
	p0 =	sne.s32 s2, $0x0  }
0x118: {  	s3 =	rddreg [dreg:$0x2];
	[bflag:$0x3] =	sbarrier.arrive $0xFFFF;
	s2 =	simm.s32 @!p0 $0x1C05  }
0x119: {  	[timem:s3], [sflag:s2] =	dma.local @!p0 [hbm:s0], s1  }
0x11a: {  	s0 =	simm.s32 @!p0 $0x5  }
0x11b: {  	_ =	swait.ge @!p0 [sflag:s0], s1  }
0x11c: {  	s1 =	ssub.s32 @!p0 $0x0, s1;
	[sflag:s0] =	ssyncset.done @!p0 $0x0  }
0x11d: {  	[sflag:s0] =	ssyncadd.s32 @!p0 s1  }
0x11e: {  	[bflag:$0x3] =	sbarrier.arrive $0xFFFF  }
0x11f: {  	_ =	shalt  }

</sc_bundles>
